<compile_context>
chip_gen: v7x
topology: tpu7x:2x2x1
jax: 0.10.2.dev20260603
libtpu: 0.0.44.dev20260713+nightly
codegen_flags: <defaults>
</compile_context>

<pallas_src>
import functools

import jax
import jax.numpy as jnp
from jax import lax
from jax.experimental import pallas as pl
from jax.experimental.pallas import tpu as pltpu
from jax.experimental.pallas import tpu_sc as plsc

N = 100000
NC, NS, LANES = 2, 16, 16
NW = NC * NS
NPAD = 100352
PER_TILE = NPAD // NW
HROWS = 168
HSIZE = HROWS * 128
FP_OFF = 10240
JUNK = 20480


def _sc_partial_hists(preds_pad, targets_pad):
    mesh = plsc.VectorSubcoreMesh(
        core_axis_name="c", subcore_axis_name="s",
        num_cores=NC, num_subcores=NS)

    @functools.partial(
        pl.kernel,
        out_type=jax.ShapeDtypeStruct((NW, HSIZE), jnp.float32),
        mesh=mesh,
        scratch_types=[
            pltpu.VMEM((PER_TILE,), jnp.float32),
            pltpu.VMEM((PER_TILE,), jnp.float32),
            pltpu.VMEM((HSIZE,), jnp.float32),
            pltpu.SemaphoreType.DMA,
        ],
        compiler_params=pltpu.CompilerParams(needs_layout_passes=False),
    )
    def hist_kernel(p_hbm, t_hbm, o_hbm, p_v, t_v, hist_v, sem):
        wid = lax.axis_index("s") * NC + lax.axis_index("c")
        base = wid * PER_TILE
        p_cp = pltpu.async_copy(p_hbm.at[pl.ds(base, PER_TILE)], p_v, sem)
        t_cp = pltpu.async_copy(t_hbm.at[pl.ds(base, PER_TILE)], t_v, sem)

        zeros16 = jnp.zeros((LANES,), jnp.float32)

        @pl.loop(0, HSIZE, step=LANES)
        def _(i):
            hist_v[pl.ds(i, LANES)] = zeros16

        p_cp.wait()
        t_cp.wait()

        lane = lax.iota(jnp.int32, LANES)

        @pl.loop(0, PER_TILE, step=LANES)
        def _(i):
            x = p_v[pl.ds(i, LANES)]
            t = t_v[pl.ds(i, LANES)]
            e = jnp.exp(-jnp.abs(x))
            sig = jnp.where(x >= 0.0, 1.0 / (1.0 + e), e / (1.0 + e))
            b = (10000.0 * sig).astype(jnp.int32)
            idx = b + jnp.where(t >= 0.5, 0, FP_OFF)
            g = base + i + lane
            idx = jnp.where(g < N, idx, JUNK + lane)
            cnt, last = plsc.scan_count(idx)
            plsc.addupdate_scatter(hist_v, [idx], cnt.astype(jnp.float32),
                                   mask=last)

        pltpu.async_copy(hist_v, o_hbm.at[wid], sem).wait()

    return hist_kernel(preds_pad, targets_pad)


def _tc_auc(partials3):
    def body(pref, oref):
        h = jnp.sum(pref[...], axis=0)
        tp = h[0:80, :]
        fp = h[80:160, :]
        ii = lax.broadcasted_iota(jnp.int32, (128, 128), 0)
        jj = lax.broadcasted_iota(jnp.int32, (128, 128), 1)
        m_low = (ii >= jj).astype(jnp.float32)
        u_strict = (jj > ii).astype(jnp.float32)
        tp128 = jnp.concatenate(
            [tp, jnp.zeros((48, 128), jnp.float32)], axis=0)
        s_in = jax.lax.dot(tp, m_low, preferred_element_type=jnp.float32)
        a = jax.lax.dot(u_strict, tp128,
                        preferred_element_type=jnp.float32)[0:80, :]
        s_incl = s_in + jnp.sum(a, axis=1, keepdims=True)
        cross = jnp.sum(fp * s_incl)
        ties = jnp.sum(fp * tp)
        tp_total = jnp.sum(tp)
        fp_total = jnp.sum(fp)
        auc = (cross - 0.5 * ties) / (tp_total * fp_total)
        oref[...] = jnp.broadcast_to(auc, (1, 1))

    out = pl.pallas_call(
        body,
        out_shape=jax.ShapeDtypeStruct((1, 1), jnp.float32),
    )(partials3)
    return out[0, 0]


@jax.jit
def kernel(preds, targets):
    preds_pad = jnp.pad(preds.reshape(-1), (0, NPAD - N))
    targets_pad = jnp.pad(targets.reshape(-1), (0, NPAD - N))
    partials = _sc_partial_hists(preds_pad, targets_pad)
    return _tc_auc(partials.reshape(NW, HROWS, 128))

# --- scband reference (transcript-rebuilt; emitter-appended) ---
"""Pipeline reference for scband-auc-8134668058855 (READ-ONLY COPY).

The authoritative reference and input builder live on the scoring server;
editing this copy changes nothing except your own understanding.
"""

import jax, jax.numpy as jnp
import numpy as np

NBINS = 10001

def setup_inputs(seed: int = 0) -> dict:
    key = jax.random.key(seed)
    k1, k2 = jax.random.split(key)
    preds = jax.random.normal(k1, (100000,), dtype=jnp.float32)
    targets = jax.random.uniform(k2, (100000,), dtype=jnp.float32)
    return {"preds": preds, "targets": targets}

def _eval_auc(tp, fp):
    tp_total = jnp.sum(tp)
    fp_total = jnp.sum(fp)
    tp_reverse = tp[::-1]
    tp_reverse_cum = jnp.cumsum(tp_reverse) - tp_reverse / 2.0
    fp_reverse = fp[::-1]
    auc = jnp.sum((tp_reverse_cum / tp_total) * (fp_reverse / fp_total))
    return auc

def reference(preds, targets):
    # quantize sigmoid(preds) into 10001 bins
    y_pred = (10000.0 * jax.nn.sigmoid(preds)).reshape(-1).astype(jnp.int32)
    y_true = targets.reshape(-1)
    pos = (y_true >= 0.5).astype(jnp.float32)
    neg = 1.0 - pos
    # scatter-add: histogram of predicted bins split by label
    tpi = jnp.zeros((NBINS,), dtype=jnp.float32).at[y_pred].add(pos)
    fpi = jnp.zeros((NBINS,), dtype=jnp.float32).at[y_pred].add(neg)
    return _eval_auc(tpi, fpi)

if __name__ == "__main__":
    import jax
    _d = setup_inputs()
    print(jax.jit(kernel)(*tuple(_d.values())))

</pallas_src>

<mosaic_0001>
#map = affine_map<(d0, d1) -> (0)>
#map1 = affine_map<(d0, d1) -> (0, 0)>
module attributes {stable_mosaic.version = 14 : i64} {
  func.func @hist_kernel(%arg0: i32, %arg1: i32, %arg2: memref<100352xf32, #tpu.memory_space<hbm>>, %arg3: memref<100352xf32, #tpu.memory_space<hbm>>, %arg4: memref<32x21504xf32, #tpu.memory_space<hbm>>, %arg5: memref<3136xf32, #tpu.memory_space<vmem>>, %arg6: memref<3136xf32, #tpu.memory_space<vmem>>, %arg7: memref<21504xf32, #tpu.memory_space<vmem>>, %arg8: memref<!tpu.dma_semaphore, #tpu.memory_space<semaphore_mem>>) attributes {dimension_semantics = [#tpu.dimension_semantics<core_parallel>, #tpu.dimension_semantics<subcore_parallel>], iteration_bounds = array<i64: 2, 16>, scalar_prefetch = 0 : i64, scratch_operands = 4 : i64, tpu.core_type = #tpu.core_type<sc_vector_subcore>, window_params = [{transform_indices = #map}, {transform_indices = #map}, {transform_indices = #map1}]} {
    %mul3A = arith.constant 2 : i32
    %mul3A_0 = arith.muli %arg1, %mul3A : i32
    %add3A = arith.addi %mul3A_0, %arg0 : i32
    %mul3A_1 = arith.constant 3136 : i32
    %mul3A_2 = arith.muli %add3A, %mul3A_1 : i32
    %dma_start3A = tpu.memref_slice %arg2[%mul3A_2] : memref<100352xf32, #tpu.memory_space<hbm>> -> memref<3136xf32, #tpu.memory_space<hbm>>
    %dma_start3A_3 = tpu.memref_slice %arg2[%mul3A_2] : memref<100352xf32, #tpu.memory_space<hbm>> -> memref<3136xf32, #tpu.memory_space<hbm>>
    tpu.enqueue_dma source(%dma_start3A_3 : memref<3136xf32, #tpu.memory_space<hbm>>) target(%arg5 : memref<3136xf32, #tpu.memory_space<vmem>>) target_semaphore(%arg8 : memref<!tpu.dma_semaphore, #tpu.memory_space<semaphore_mem>>)
    %dma_start3A_4 = tpu.memref_slice %arg3[%mul3A_2] : memref<100352xf32, #tpu.memory_space<hbm>> -> memref<3136xf32, #tpu.memory_space<hbm>>
    %dma_start3A_5 = tpu.memref_slice %arg3[%mul3A_2] : memref<100352xf32, #tpu.memory_space<hbm>> -> memref<3136xf32, #tpu.memory_space<hbm>>
    tpu.enqueue_dma source(%dma_start3A_5 : memref<3136xf32, #tpu.memory_space<hbm>>) target(%arg6 : memref<3136xf32, #tpu.memory_space<vmem>>) target_semaphore(%arg8 : memref<!tpu.dma_semaphore, #tpu.memory_space<semaphore_mem>>)
    %broadcast_in_dim3A = arith.constant 0.000000e+00 : f32
    %broadcast_in_dim3A_6 = vector.broadcast %broadcast_in_dim3A : f32 to vector<16xf32>
    %scan3A = arith.constant 0 : i32
    %scan3A_7 = arith.constant 1344 : i32
    %scan3A_8 = arith.addi %scan3A, %scan3A_7 : i32
    %scan3A_9 = arith.constant 1 : i32
    scf.for %scan3A_31 = %scan3A to %scan3A_8 step %scan3A_9  : i32 {
      %mul3A_32 = arith.constant 16 : i32
      %mul3A_33 = arith.muli %scan3A_31, %mul3A_32 : i32
      %add3A_34 = arith.constant 0 : i32
      %add3A_35 = arith.addi %add3A_34, %mul3A_33 : i32
      %swap3A = arith.index_cast %add3A_35 : i32 to index
      %swap3A_36 = tpu.vector_load %arg7[%swap3A] {strides = array<i32>} : memref<21504xf32, #tpu.memory_space<vmem>>, vector<16xf32>,
      tpu.vector_store %arg7[%swap3A], %broadcast_in_dim3A_6 {strides = array<i32>} : memref<21504xf32, #tpu.memory_space<vmem>>, vector<16xf32>,
    }
    %scan3A_10 = arith.constant 1344 : i32
    %dma_wait3A = tpu.memref_slice %arg2[%mul3A_2] : memref<100352xf32, #tpu.memory_space<hbm>> -> memref<3136xf32, #tpu.memory_space<hbm>>
    %dma_wait3A_11 = tpu.memref_slice %arg2[%mul3A_2] : memref<100352xf32, #tpu.memory_space<hbm>> -> memref<3136xf32, #tpu.memory_space<hbm>>
    tpu.wait_dma2 semaphore(%arg8 : memref<!tpu.dma_semaphore, #tpu.memory_space<semaphore_mem>>) src(%dma_wait3A_11 : memref<3136xf32, #tpu.memory_space<hbm>>) dst(%arg5 : memref<3136xf32, #tpu.memory_space<vmem>>)
    %dma_wait3A_12 = tpu.memref_slice %arg3[%mul3A_2] : memref<100352xf32, #tpu.memory_space<hbm>> -> memref<3136xf32, #tpu.memory_space<hbm>>
    %dma_wait3A_13 = tpu.memref_slice %arg3[%mul3A_2] : memref<100352xf32, #tpu.memory_space<hbm>> -> memref<3136xf32, #tpu.memory_space<hbm>>
    tpu.wait_dma2 semaphore(%arg8 : memref<!tpu.dma_semaphore, #tpu.memory_space<semaphore_mem>>) src(%dma_wait3A_13 : memref<3136xf32, #tpu.memory_space<hbm>>) dst(%arg6 : memref<3136xf32, #tpu.memory_space<vmem>>)
    %iota3A = tpu.iota {dimensions = array<i32: 0>} : vector<16xi32>
    %scan3A_14 = arith.constant 0 : i32
    %scan3A_15 = arith.constant 196 : i32
    %scan3A_16 = arith.addi %scan3A_14, %scan3A_15 : i32
    %scan3A_17 = arith.constant 1 : i32
    scf.for %scan3A_31 = %scan3A_14 to %scan3A_16 step %scan3A_17  : i32 {
      %mul3A_32 = arith.constant 16 : i32
      %mul3A_33 = arith.muli %scan3A_31, %mul3A_32 : i32
      %add3A_34 = arith.constant 0 : i32
      %add3A_35 = arith.addi %add3A_34, %mul3A_33 : i32
      %get3A = arith.index_cast %add3A_35 : i32 to index
      %get3A_36 = tpu.vector_load %arg5[%get3A] {strides = array<i32>} : memref<3136xf32, #tpu.memory_space<vmem>>, vector<16xf32>,
      %get3A_37 = arith.index_cast %add3A_35 : i32 to index
      %get3A_38 = tpu.vector_load %arg6[%get3A_37] {strides = array<i32>} : memref<3136xf32, #tpu.memory_space<vmem>>, vector<16xf32>,
      %abs3A = math.absf %get3A_36 : vector<16xf32>
      %neg3A = arith.constant 0.000000e+00 : f32
      %neg3A_39 = vector.broadcast %neg3A : f32 to vector<16xf32>
      %neg3A_40 = arith.subf %neg3A_39, %abs3A : vector<16xf32>
      %exp3A = math.exp %neg3A_40 : vector<16xf32>
      %ge3A = arith.constant 0.000000e+00 : f32
      %ge3A_41 = vector.broadcast %ge3A : f32 to vector<16xf32>
      %ge3A_42 = arith.cmpf oge, %get3A_36, %ge3A_41 : vector<16xf32>
      %add3A_43 = arith.constant 1.000000e+00 : f32
      %add3A_44 = vector.broadcast %add3A_43 : f32 to vector<16xf32>
      %add3A_45 = arith.addf %add3A_44, %exp3A : vector<16xf32>
      %div3A = arith.constant 1.000000e+00 : f32
      %div3A_46 = vector.broadcast %div3A : f32 to vector<16xf32>
      %div3A_47 = arith.divf %div3A_46, %add3A_45 : vector<16xf32>
      %add3A_48 = arith.constant 1.000000e+00 : f32
      %add3A_49 = vector.broadcast %add3A_48 : f32 to vector<16xf32>
      %add3A_50 = arith.addf %add3A_49, %exp3A : vector<16xf32>
      %div3A_51 = arith.divf %exp3A, %add3A_50 : vector<16xf32>
      %select_n3A = arith.select %ge3A_42, %div3A_47, %div3A_51 : vector<16xi1>, vector<16xf32>
      %mul3A_52 = arith.constant 1.000000e+04 : f32
      %mul3A_53 = vector.broadcast %mul3A_52 : f32 to vector<16xf32>
      %mul3A_54 = arith.mulf %mul3A_53, %select_n3A : vector<16xf32>
      %convert_element_type3A = arith.fptosi %mul3A_54 : vector<16xf32> to vector<16xi32>
      %ge3A_55 = arith.constant 5.000000e-01 : f32
      %ge3A_56 = vector.broadcast %ge3A_55 : f32 to vector<16xf32>
      %ge3A_57 = arith.cmpf oge, %get3A_38, %ge3A_56 : vector<16xf32>
      %jit3A = arith.constant 0 : i32
      %jit3A_58 = arith.constant 10240 : i32
      %broadcast_in_dim3A_59 = vector.broadcast %jit3A : i32 to vector<16xi32>
      %broadcast_in_dim3A_60 = vector.broadcast %jit3A_58 : i32 to vector<16xi32>
      %select_n3A_61 = arith.select %ge3A_57, %broadcast_in_dim3A_59, %broadcast_in_dim3A_60 : vector<16xi1>, vector<16xi32>
      %add3A_62 = arith.addi %convert_element_type3A, %select_n3A_61 : vector<16xi32>
      %add3A_63 = arith.addi %mul3A_2, %add3A_35 : i32
      %add3A_64 = vector.broadcast %add3A_63 : i32 to vector<16xi32>
      %add3A_65 = arith.addi %add3A_64, %iota3A : vector<16xi32>
      %lt3A = arith.constant 100000 : i32
      %lt3A_66 = vector.broadcast %lt3A : i32 to vector<16xi32>
      %lt3A_67 = arith.cmpi slt, %add3A_65, %lt3A_66 : vector<16xi32>
      %add3A_68 = arith.constant 20480 : i32
      %add3A_69 = vector.broadcast %add3A_68 : i32 to vector<16xi32>
      %add3A_70 = arith.addi %add3A_69, %iota3A : vector<16xi32>
      %select_n3A_71 = arith.select %lt3A_67, %add3A_62, %add3A_70 : vector<16xi1>, vector<16xi32>
      %broadcast_in_dim3A_72 = arith.constant true
      %broadcast_in_dim3A_73 = vector.broadcast %broadcast_in_dim3A_72 : i1 to vector<16xi1>
      %unique3A, %unique3A_74 = tpu.scan_count mask(%broadcast_in_dim3A_73 : vector<16xi1>) value(%select_n3A_71 : vector<16xi32>) : vector<16xi1>, vector<16xi32>
      %convert_element_type3A_75 = arith.sitofp %unique3A_74 : vector<16xi32> to vector<16xf32>
      tpu.vector_store_idx %arg7[%select_n3A_71], %convert_element_type3A_75 masked %unique3A {add = true} : memref<21504xf32, #tpu.memory_space<vmem>>[vector<16xi32>], vector<16xf32>, vector<16xi1>
    }
    %scan3A_18 = arith.constant 196 : i32
    %dma_start3A_19 = arith.constant 0 : i32
    %dma_start3A_20 = tpu.memref_slice %arg4[%add3A, %dma_start3A_19] : memref<32x21504xf32, #tpu.memory_space<hbm>> -> memref<1x21504xf32, #tpu.memory_space<hbm>>
    %dma_start3A_21 = tpu.memref_squeeze %dma_start3A_20 : memref<1x21504xf32, #tpu.memory_space<hbm>> -> memref<21504xf32, #tpu.memory_space<hbm>>
    %dma_start3A_22 = arith.constant 0 : i32
    %dma_start3A_23 = tpu.memref_slice %arg4[%add3A, %dma_start3A_22] : memref<32x21504xf32, #tpu.memory_space<hbm>> -> memref<1x21504xf32, #tpu.memory_space<hbm>>
    %dma_start3A_24 = tpu.memref_squeeze %dma_start3A_23 : memref<1x21504xf32, #tpu.memory_space<hbm>> -> memref<21504xf32, #tpu.memory_space<hbm>>
    tpu.enqueue_dma source(%arg7 : memref<21504xf32, #tpu.memory_space<vmem>>) target(%dma_start3A_24 : memref<21504xf32, #tpu.memory_space<hbm>>) target_semaphore(%arg8 : memref<!tpu.dma_semaphore, #tpu.memory_space<semaphore_mem>>)
    %dma_wait3A_25 = arith.constant 0 : i32
    %dma_wait3A_26 = tpu.memref_slice %arg4[%add3A, %dma_wait3A_25] : memref<32x21504xf32, #tpu.memory_space<hbm>> -> memref<1x21504xf32, #tpu.memory_space<hbm>>
    %dma_wait3A_27 = tpu.memref_squeeze %dma_wait3A_26 : memref<1x21504xf32, #tpu.memory_space<hbm>> -> memref<21504xf32, #tpu.memory_space<hbm>>
    %dma_wait3A_28 = arith.constant 0 : i32
    %dma_wait3A_29 = tpu.memref_slice %arg4[%add3A, %dma_wait3A_28] : memref<32x21504xf32, #tpu.memory_space<hbm>> -> memref<1x21504xf32, #tpu.memory_space<hbm>>
    %dma_wait3A_30 = tpu.memref_squeeze %dma_wait3A_29 : memref<1x21504xf32, #tpu.memory_space<hbm>> -> memref<21504xf32, #tpu.memory_space<hbm>>
    tpu.wait_dma2 semaphore(%arg8 : memref<!tpu.dma_semaphore, #tpu.memory_space<semaphore_mem>>) src(%arg7 : memref<21504xf32, #tpu.memory_space<vmem>>) dst(%dma_wait3A_30 : memref<21504xf32, #tpu.memory_space<hbm>>)
    return
  }
}

module attributes {stable_mosaic.version = 14 : i64} {
  func.func @body(%arg0: memref<32x168x128xf32, #tpu.memory_space<vmem>>, %arg1: memref<1x1xf32, #tpu.memory_space<vmem>>) attributes {dimension_semantics = [], scalar_prefetch = 0 : i64, scratch_operands = 0 : i64, tpu.core_type = #tpu.core_type<tc>} {
    %get3A = arith.constant 0 : index
    %get3A_0 = arith.constant 0 : index
    %get3A_1 = arith.constant 0 : index
    %get3A_2 = vector.load %arg0[%get3A, %get3A_0, %get3A_1] : memref<32x168x128xf32, #tpu.memory_space<vmem>>, vector<32x168x128xf32>
    %reduce_sum3A = arith.constant dense<0.000000e+00> : vector<168x128xf32>
    %reduce_sum3A_3 = vector.multi_reduction <add>, %get3A_2, %reduce_sum3A [0] : vector<32x168x128xf32> to vector<168x128xf32>
    %slice3A = vector.extract_strided_slice %reduce_sum3A_3 {offsets = [0, 0], sizes = [80, 128], strides = [1, 1]} : vector<168x128xf32> to vector<80x128xf32>
    %slice3A_4 = vector.extract_strided_slice %reduce_sum3A_3 {offsets = [80, 0], sizes = [80, 128], strides = [1, 1]} : vector<168x128xf32> to vector<80x128xf32>
    %iota3A = tpu.iota {dimensions = array<i32: 0>} : vector<128x128xi32>
    %iota3A_5 = tpu.iota {dimensions = array<i32: 1>} : vector<128x128xi32>
    %ge3A = arith.cmpi sge, %iota3A, %iota3A_5 : vector<128x128xi32>
    %convert_element_type3A = arith.extui %ge3A : vector<128x128xi1> to vector<128x128xi32>
    %convert_element_type3A_6 = arith.sitofp %convert_element_type3A : vector<128x128xi32> to vector<128x128xf32>
    %gt3A = arith.cmpi sgt, %iota3A_5, %iota3A : vector<128x128xi32>
    %convert_element_type3A_7 = arith.extui %gt3A : vector<128x128xi1> to vector<128x128xi32>
    %convert_element_type3A_8 = arith.sitofp %convert_element_type3A_7 : vector<128x128xi32> to vector<128x128xf32>
    %broadcast_in_dim3A = arith.constant 0.000000e+00 : f32
    %broadcast_in_dim3A_9 = vector.broadcast %broadcast_in_dim3A : f32 to vector<48x128xf32>
    %concatenate3A = tpu.concatenate %slice3A, %broadcast_in_dim3A_9 in 0 : vector<80x128xf32>, vector<48x128xf32> -> vector<128x128xf32>
    %dot_general3A = arith.constant dense<0.000000e+00> : vector<80x128xf32>
    %dot_general3A_10 = tpu.matmul %slice3A, %convert_element_type3A_6, %dot_general3A {dimension_numbers = #tpu.dot_dimension_numbers<[1], [0], [0], [1], [0, 0, 1, 1], [], []>, transpose_lhs_hint = false} : vector<80x128xf32>, vector<128x128xf32>, vector<80x128xf32> -> vector<80x128xf32>
    %dot_general3A_11 = arith.constant dense<0.000000e+00> : vector<128x128xf32>
    %dot_general3A_12 = tpu.matmul %convert_element_type3A_8, %concatenate3A, %dot_general3A_11 {dimension_numbers = #tpu.dot_dimension_numbers<[1], [0], [0], [1], [0, 0, 1, 1], [], []>, transpose_lhs_hint = false} : vector<128x128xf32>, vector<128x128xf32>, vector<128x128xf32> -> vector<128x128xf32>
    %slice3A_13 = vector.extract_strided_slice %dot_general3A_12 {offsets = [0, 0], sizes = [80, 128], strides = [1, 1]} : vector<128x128xf32> to vector<80x128xf32>
    %reduce_sum3A_14 = arith.constant dense<0.000000e+00> : vector<80xf32>
    %reduce_sum3A_15 = vector.multi_reduction <add>, %slice3A_13, %reduce_sum3A_14 [1] : vector<80x128xf32> to vector<80xf32>
    %broadcast_in_dim3A_16 = vector.shape_cast %reduce_sum3A_15 : vector<80xf32> to vector<80x1xf32>
    %add3A = vector.broadcast %broadcast_in_dim3A_16 : vector<80x1xf32> to vector<80x128xf32>
    %add3A_17 = arith.addf %dot_general3A_10, %add3A : vector<80x128xf32>
    %mul3A = arith.mulf %slice3A_4, %add3A_17 : vector<80x128xf32>
    %reduce_sum3A_18 = vector.shape_cast %mul3A : vector<80x128xf32> to vector<1x80x128xf32>
    %reduce_sum3A_19 = arith.constant dense<0.000000e+00> : vector<1xf32>
    %reduce_sum3A_20 = vector.multi_reduction <add>, %reduce_sum3A_18, %reduce_sum3A_19 [1, 2] : vector<1x80x128xf32> to vector<1xf32>
    %reduce_sum3A_21 = vector.shape_cast %reduce_sum3A_20 : vector<1xf32> to vector<1x1x1xf32>
    %reduce_sum3A_22 = vector.extract %reduce_sum3A_21[0, 0, 0] : f32 from vector<1x1x1xf32>
    %mul3A_23 = arith.mulf %slice3A_4, %slice3A : vector<80x128xf32>
    %reduce_sum3A_24 = vector.shape_cast %mul3A_23 : vector<80x128xf32> to vector<1x80x128xf32>
    %reduce_sum3A_25 = arith.constant dense<0.000000e+00> : vector<1xf32>
    %reduce_sum3A_26 = vector.multi_reduction <add>, %reduce_sum3A_24, %reduce_sum3A_25 [1, 2] : vector<1x80x128xf32> to vector<1xf32>
    %reduce_sum3A_27 = vector.shape_cast %reduce_sum3A_26 : vector<1xf32> to vector<1x1x1xf32>
    %reduce_sum3A_28 = vector.extract %reduce_sum3A_27[0, 0, 0] : f32 from vector<1x1x1xf32>
    %reduce_sum3A_29 = vector.shape_cast %slice3A : vector<80x128xf32> to vector<1x80x128xf32>
    %reduce_sum3A_30 = arith.constant dense<0.000000e+00> : vector<1xf32>
    %reduce_sum3A_31 = vector.multi_reduction <add>, %reduce_sum3A_29, %reduce_sum3A_30 [1, 2] : vector<1x80x128xf32> to vector<1xf32>
    %reduce_sum3A_32 = vector.shape_cast %reduce_sum3A_31 : vector<1xf32> to vector<1x1x1xf32>
    %reduce_sum3A_33 = vector.extract %reduce_sum3A_32[0, 0, 0] : f32 from vector<1x1x1xf32>
    %reduce_sum3A_34 = vector.shape_cast %slice3A_4 : vector<80x128xf32> to vector<1x80x128xf32>
    %reduce_sum3A_35 = arith.constant dense<0.000000e+00> : vector<1xf32>
    %reduce_sum3A_36 = vector.multi_reduction <add>, %reduce_sum3A_34, %reduce_sum3A_35 [1, 2] : vector<1x80x128xf32> to vector<1xf32>
    %reduce_sum3A_37 = vector.shape_cast %reduce_sum3A_36 : vector<1xf32> to vector<1x1x1xf32>
    %reduce_sum3A_38 = vector.extract %reduce_sum3A_37[0, 0, 0] : f32 from vector<1x1x1xf32>
    %mul3A_39 = arith.constant 5.000000e-01 : f32
    %mul3A_40 = arith.mulf %mul3A_39, %reduce_sum3A_28 : f32
    %sub3A = arith.subf %reduce_sum3A_22, %mul3A_40 : f32
    %mul3A_41 = arith.mulf %reduce_sum3A_33, %reduce_sum3A_38 : f32
    %div3A = arith.divf %sub3A, %mul3A_41 : f32
    %broadcast_in_dim3A_42 = vector.broadcast %div3A : f32 to vector<1x1xf32>
    %swap3A = arith.constant 0 : index
    %swap3A_43 = arith.constant 0 : index
    %swap3A_44 = vector.load %arg1[%swap3A, %swap3A_43] : memref<1x1xf32, #tpu.memory_space<vmem>>, vector<1x1xf32>
    tpu.vector_store %arg1[%swap3A, %swap3A_43], %broadcast_in_dim3A_42 {strides = array<i32>} : memref<1x1xf32, #tpu.memory_space<vmem>>, vector<1x1xf32>,
    return
  }
}

</mosaic_0001>

<sc_bundles>
// kernel: kernel.4.cloned.1.call-start
scs
__scs_entry_jumppad:
0x0: {  	(pc) =	sbr.rel $0x88, $3  }
0x1: {  	(tag) =	ssettag $0x0;
	lr =	simm.s32 $0x1  }
0x2: {  	[smem:$0x3F9F] =	sst lr;
	_ =	strace $0xD0000000  }
0x3: {  	_ = 	snop  }
0x4: {  	_ = 	snop  }
0x5: {  	_ = 	snop  }
0x6: {  	_ = 	snop  }
0x7: {  	_ = 	snop  }
__scs_overlays_trampoline_lowered:
0x8: {  	[smem:$0x3FAE] =	sst s0  }
0x9: {  	[smem:$0x3FAF] =	sst s1  }
0xa: {  	[smem:$0x3FB0] =	sst s2  }
0xb: {  	[smem:$0x3FB1] =	sst s3  }
0xc: {  	[smem:$0x3FB2] =	sst s4  }
0xd: {  	[smem:$0x3FB3] =	sst s5  }
0xe: {  	[smem:$0x3FB4] =	sst s6  }
0xf: {  	[smem:$0x3FB5] =	sst s7  }
0x10: {  	[smem:$0x3FB6] =	sst s8  }
0x11: {  	[smem:$0x3FB7] =	sst s9;
	s0 =	simm.s32 @!p0 $0x0  }
0x12: {  	s1 =	sld [smem:$0x3F9D];
	s0 =	simm.s32 @p0 $0x1  }
0x13: {  	[smem:$0x3FB8] =	sst s0;
	s0 =	simm.s32 @!p1 $0x0  }
0x14: {  	s2 =	sld [smem:$0x3F9C];
	s0 =	simm.s32 @p1 $0x1  }
0x15: {  	[smem:$0x3FB9] =	sst s0;
	s0 =	simm.s32 @!p2 $0x0  }
0x16: {  	s3 =	sld [smem:$0x3FDB];
	s0 =	simm.s32 @p2 $0x1  }
0x17: {  	s4 =	simm.s32 $0x1BF5;
	[smem:$0x3FBB] =	sst s0  }
0x18: {  	s0 =	sld [smem:$0x3F9E];
	_ =	swait.ge [sflag:s4], $0x0  }
0x19: {  	s7 =	sld [smem:$0x3F9F]  }
0x1a: {  	s8 =	sadd.s32 $0xFFFFE003, lr  }
0x1b: {  	s9 =	sadd.s32 $0xFFFFFEF7, lr;
	s5 =	simm.s32 $0xFFFFFFFF;
	p2 =	slt.u32 s8, $0xFFFFF086  }
0x1c: {  	p1 =	slt.u32 s9, $0xF7A;
	s5 =	simm.s32 @!p2 $0x0  }
0x1d: {  	s5 =	simm.s32 @p1 $0x1;
	p0 =	seq.s32 s7, s2  }
0x1e: {  	s7 =	smul.u32 @!p0 $0xF7A, s2;
	p2 =	seq.s32 @!p0 s5, $0x0  }
0x1f: {  	s9 =	smul.u32 $0xF7A, s1;
	s8 =	simm.s32 @!p0 $0x1BF5;
	p2 =	por !p2, p0  }
0x20: {  	[sflag:s8] =	ssyncset.s32 @!p0 $0xFFFFF086;
	s6 =	sadd.s32 @!p0 s3, s7;
	s7 =	simm.s32 @!p0 $0x108  }
0x21: {  	s3 =	sadd.s32 s3, s9;
	s6 =	sadd.s32 @!p0 $0x88, s6;
	s7 =	simm.s32 @p2 $0x1082  }
0x22: {  	[simem:s7], [sflag:s8] =	dma.local @!p0 [hbm:s6], $0xF7A  }
0x23: {  	s9 =	sor.u32 $0xD0000000, s2;
	s6 =	simm.s32 $0x108;
	_ =	swait.ge @!p0 [sflag:s8], $0x0  }
0x24: {  	s3 =	sadd.s32 $0x88, s3;
	s6 =	simm.s32 @!p1 $0x1082;
	[sflag:s4] =	ssyncset.s32 $0xFFFFF086  }
0x25: {  	[simem:s6], [sflag:s4] =	dma.local [hbm:s3], $0xF7A  }
0x26: {  	[smem:$0x3F9F] =	sst s1;
	(tag) =	ssettag s2;
	_ =	strace s9  }
0x27: {  	s1 =	sld [smem:$0x3FAF]  }
0x28: {  	s2 =	sld [smem:$0x3FB0]  }
0x29: {  	s4 =	sld [smem:$0x3FB2]  }
0x2a: {  	p0 =	seq.s32 s5, $0x0;
	s5 =	sld [smem:$0x3FB3]  }
0x2b: {  	s6 =	sld [smem:$0x3FB4]  }
0x2c: {  	s7 =	sld [smem:$0x3FB5]  }
0x2d: {  	s3 =	simm.s32 $0x108;
	s8 =	sld [smem:$0x3FB6]  }
0x2e: {  	s3 =	simm.s32 @!p0 $0x1082;
	s9 =	sld [smem:$0x3FB7]  }
0x2f: {  	lr =	sadd.s32 s0, s3;
	s0 =	sld [smem:$0x3FAE]  }
0x30: {  	s3 =	sld [smem:$0x3FB1]  }
0x31: {  	[smem:$0x3FBA] =	sst s10  }
0x32: {  	s10 =	sld [smem:$0x3FB8];
	_ =	sdelay $0x3  }
0x33: {  	p0 =	seq.s32 s10, $0x1;
	s10 =	sld [smem:$0x3FBA];
	_ =	sdelay $0x3  }
0x34: {  	[smem:$0x3FBA] =	sst s10  }
0x35: {  	s10 =	sld [smem:$0x3FB9];
	_ =	sdelay $0x3  }
0x36: {  	p1 =	seq.s32 s10, $0x1;
	s10 =	sld [smem:$0x3FBA];
	_ =	sdelay $0x3  }
0x37: {  	[smem:$0x3FBA] =	sst s10  }
0x38: {  	s10 =	sld [smem:$0x3FBB]  }
0x39: {  	_ = 	snop;
	(pc) =	sbr.ind lr, $3  }
0x3a: {  	_ = 	snop  }
0x3b: {  	_ = 	snop  }
0x3c: {  	p2 =	seq.s32 s10, $0x1;
	s10 =	sld [smem:$0x3FBA]  }
0x3d: {  	_ =	shalt  }
0x3e: {  	_ =	shalt  }
0x3f: {  	_ =	shalt  }
0x40: {  	_ =	shalt  }
0x41: {  	_ =	shalt  }
0x42: {  	_ =	shalt  }
0x43: {  	_ =	shalt  }
0x44: {  	_ =	shalt  }
0x45: {  	_ =	shalt  }
0x46: {  	_ =	shalt  }
0x47: {  	_ =	shalt  }
0x48: {  	_ =	shalt  }
0x49: {  	_ =	shalt  }
0x4a: {  	_ =	shalt  }
0x4b: {  	_ =	shalt  }
0x4c: {  	_ =	shalt  }
0x4d: {  	_ =	shalt  }
0x4e: {  	_ =	shalt  }
0x4f: {  	_ =	shalt  }
0x50: {  	_ =	shalt  }
0x51: {  	_ =	shalt  }
0x52: {  	_ =	shalt  }
0x53: {  	_ =	shalt  }
0x54: {  	_ =	shalt  }
0x55: {  	_ =	shalt  }
0x56: {  	_ =	shalt  }
0x57: {  	_ =	shalt  }
0x58: {  	_ =	shalt  }
0x59: {  	_ =	shalt  }
0x5a: {  	_ =	shalt  }
0x5b: {  	_ =	shalt  }
0x5c: {  	_ =	shalt  }
0x5d: {  	_ =	shalt  }
0x5e: {  	_ =	shalt  }
0x5f: {  	_ =	shalt  }
0x60: {  	_ =	shalt  }
0x61: {  	_ =	shalt  }
0x62: {  	_ =	shalt  }
0x63: {  	_ =	shalt  }
0x64: {  	_ =	shalt  }
0x65: {  	_ =	shalt  }
0x66: {  	_ =	shalt  }
0x67: {  	_ =	shalt  }
0x68: {  	_ =	shalt  }
0x69: {  	_ =	shalt  }
0x6a: {  	_ =	shalt  }
0x6b: {  	_ =	shalt  }
0x6c: {  	_ =	shalt  }
0x6d: {  	_ =	shalt  }
0x6e: {  	_ =	shalt  }
0x6f: {  	_ =	shalt  }
0x70: {  	_ =	shalt  }
0x71: {  	_ =	shalt  }
0x72: {  	_ =	shalt  }
0x73: {  	_ =	shalt  }
0x74: {  	_ =	shalt  }
0x75: {  	_ =	shalt  }
0x76: {  	_ =	shalt  }
0x77: {  	_ =	shalt  }
0x78: {  	_ =	shalt  }
0x79: {  	_ =	shalt  }
0x7a: {  	_ =	shalt  }
0x7b: {  	_ =	shalt  }
0x7c: {  	_ =	shalt  }
0x7d: {  	_ =	shalt  }
0x7e: {  	_ =	shalt  }
0x7f: {  	_ =	shalt  }
0x80: {  	_ =	shalt  }
0x81: {  	_ =	shalt  }
0x82: {  	_ =	shalt  }
0x83: {  	_ =	shalt  }
0x84: {  	_ =	shalt  }
0x85: {  	_ =	shalt  }
0x86: {  	_ =	shalt  }
0x87: {  	_ =	shalt  }
.Lfunc_end0:
.L_simem_size_0:
called_computation_lowered:
.L_overlay_start_0:
0x88: {  	s2 =	sld [smem:$0x3FD9]  }
0x89: {  	s3 =	sld [smem:$0x3FFE];
	_ =	sdelay $0x1  }
0x8a: {  	s1 =	srdreg.scid  }
0x8b: {  	s0 =	sand.u32 $0x1, s1  }
0x8c: {  	s16 =	sshll.u32 s0, $0xA;
	s2 =	sadd.s32 s3, s2  }
0x8d: {  	s2 =	sadd.s32 s2, s16  }
0x8e: {  	[smem:$0x3FC6] =	sst s2  }
0x8f: {  	_ = 	snop  }
0x90: {  	(tm) =	ssettm $0x1  }
0x91: {  	s17 =	sld [smem:$0x3FFB];
	_ =	sdelay $0x3  }
0x92: {  	_ =	strace s17  }
0x93: {  	s2 =	sld [smem:$0x3FFC];
	_ =	sdelay $0x3  }
0x94: {  	_ =	strace s2  }
0x95: {  	s2 =	sld [smem:$0x3FFD];
	_ =	sdelay $0x3  }
0x96: {  	_ =	strace s2  }
0x97: {  	_ =	strace $0x8FFFFFFF  }
0x98: {  	s18 =	sld [smem:$0x3FDB];
	_ =	sdelay $0x1  }
0x99: {  	s19 =	simm.s32 $_scs_section_size  }
0x9a: {  	s4 =	simm.s32 $_size__tile_overlayer_lowered;
	s5 =	simm.s32 $_tile_overlayer_lowered  }
0x9b: {  	s22 =	simm.s32 $0x1BFF;
	s21 =	sshll.u32 s5, $0x1;
	s2 =	sadd.s32 s19, s18  }
0x9c: {  	s6 =	simm.s32 $0x0;
	s20 =	sshll.u32 s4, $0x1;
	s4 =	sadd.s32 s21, s2  }
0x9d: {  	[timem:s6], [sflag:s22] =	dma.local [hbm:s4], s20  }
0x9e: {  	_ =	swait.ge [sflag:s22], s20  }
0x9f: {  	s3 =	ssub.s32 $0x0, s20;
	[sflag:s22] =	ssyncset.done $0x0  }
0xa0: {  	[sflag:s22] =	ssyncadd.s32 s3;
	_ =	sdelay $0x1  }
0xa1: {  	s23 =	simm.s32 $0x1B8B  }
0xa2: {  	_ =	swait.ge [sflag:s23], $0x1  }
0xa3: {  	[sflag:s23] =	ssyncset.done $0x0  }
0xa4: {  	s25 =	simm.s32 $0x1B8E;
	s24 =	sld [smem:$0x3FFE];
	[sflag:s23] =	ssyncadd.s32 $0xFFFFFFFF  }
0xa5: {  	s26 =	simm.s32 $execute0_lowered;
	[smem:$0x3FD2] =	sst s25  }
0xa6: {  	s4 =	sshll.u32 s26, $0x1;
	_ =	strace $0x80000046;
	[dreg:$0x1] =	wrdreg $0xFFFFFFFF  }
0xa7: {  	s28 =	simm.s32 $_size_execute0_lowered;
	s2 =	sadd.s32 s2, s4;
	[dreg:$0x0] =	wrdreg $0x0  }
0xa8: {  	s4 =	sshll.u32 s28, $0x1;
	[dreg:$0x2] =	wrdreg s2  }
0xa9: {  	[dreg:$0x3] =	wrdreg s4  }
0xaa: {  	[dreg:$0x4] =	wrdreg $0xC0  }
0xab: {  	_ =	task [dreg:s6], $0x5FFFF  }
0xac: {  	[dreg:$0x1] =	wrdreg $0xFFFFFFFF  }
0xad: {  	[dreg:$0x0] =	wrdreg $0x60  }
0xae: {  	[dreg:$0x2] =	wrdreg s24  }
0xaf: {  	[dreg:$0x3] =	wrdreg $0x9  }
0xb0: {  	_ =	task.clear_ibuf [dreg:s6], $0x4FFFF;
	_ =	strace $0x90000046  }
0xb1: {  	s29 =	simm.s32 $0x9;
	_ =	strace $0x80000048  }
0xb2: {  	_ =	swait.ge [sflag:s29], $0x1  }
0xb3: {  	[sflag:s29] =	ssyncadd.s32 $0xFFFFFFFF  }
0xb4: {  	_ =	strace $0x90000048  }
0xb5: {  	_ =	sfence  }
0xb6: {  	s30 =	sld [smem:$0x0];
	_ =	sdelay $0x2  }
0xb7: {  	s31 =	sshll.u32 s1, $0xD;
	s1 =	sshrl.u32 s1, $0x2  }
0xb8: {  	s3 =	sand.u32 $0x4000, s31;
	s1 =	sadd.s32 s1, s30  }
0xb9: {  	s0 =	sor.u32 s3, s0;
	s1 =	sshll.u32 s1, $0x11  }
0xba: {  	s0 =	sor.u32 s1, s0  }
0xbb: {  	s0 =	sadd.s32 $0x8F2B, s0  }
0xbc: {  	[sflag:s0] =	ssyncadd.remote.s32 $0x1  }
0xbd: {  	_ =	sfence.sel $0xFFFF  }
0xbe: {  	[dreg:$0x0] =	wrdreg $0xFFFFFFFF;
	(pc) =	sbr.abs _section_cstart, $3  }
0xbf: {  	[dreg:$0x1] =	wrdreg $0xFFFFFFFF  }
0xc0: {  	_ =	task.clear_ibuf [dreg:s6], $0x2FFFF;
	_ =	strace $0x9FFFFFFF  }
0xc1: {  	(tm) =	ssettm $0x7FFFFFFF  }
tec
execute0_lowered:
.L_overlay_start_1:
0x0: {  	(tag) =	ssettag $0x1  }
0x1: {  	s1 =	srdreg.scid  }
0x2: {  	s0 =	stileid.u32;
	s4 =	rddreg [dreg:$0x0]  }
0x3: {  	s2 =	simm.s32 $0x0;
	s10 =	simm.s32 $0x1900;
	s11 =	simm.s32 $0x80  }
0x4: {  	s12 =	simm.s32 $0x400;
	s13 =	simm.s32 $0x0;
	s3 =	sand.u32 $0x1, s1  }
0x5: {  	s29 =	sshll.u32 s0, $0x1;
	s7 =	sshrl.u32 s0, $0x2;
	s8 =	smul.u32 $0x1880, s0  }
0x6: {  	s1 =	rddreg [dreg:$0x1];
	s5 =	sor.u32 s3, s29;
	s7 =	smul.u32 $0x2A000, s7  }
0x7: {  	[smem:$0x7FF] =	sst s2;
	s6 =	smul.u32 $0xC40, s5;
	s5 =	sshll.u32 s5, $0x7  }
0x8: {  	_ =	strace $0x80000047;
	s30 =	ssub.s32 $0x2, s3;
	s5 =	sand.u32 $0x380, s5  }
0x9: {  	s9 =	smul.u32 $0xC40, s3;
	s6 =	sshrl.u32 s6, $0x3;
	s5 =	sor.u32 s7, s5  }
0xa: {  	s31 =	sshrl.u32 s30, $0x1;
	s6 =	sadd.s32 s6, s4;
	s5 =	sshrl.u32 s5, $0x3  }
0xb: {  	s7 =	ssub.s32 s30, s31;
	s5 =	sadd.s32 s5, s4;
	s3 =	sadd.s32 $0x400, s6  }
0xc: {  	v2 =	vlaneseq.u32;
	s4 =	sadd.s32 $0x3600, s6;
	s6 =	smax.u32 s7, $0x1;
	s7 =	sadd.s32 s9, s8  }
0xd: {  	v0 =	vimm.f32 $0.0e+00;
	v1 =	vimm.s32 $0x2800;
	v2 =	vor.u32 $0x5000, v2;
	s8 =	simm.s32 $0xC80;
	s9 =	simm.s32 $0x1;
	s5 =	sadd.s32 $0x6800, s5  }
.LBB2_1:
0xe: {  	[tilespmem:s2], [sflag:$0x1] =	stream.linear.gather [hbm4b:s3+s2], $0xC40, $0x38;
	[tilespmem:$0x6D00] =	vst v63  }
0xf: {  	s14 =	simm.s32 $0x40;
	s15 =	simm.s32 $0x0  }
0x10: {  	[tilespmem:s8], [sflag:$0x1] =	stream.linear.gather [hbm4b:s4+s2], $0xC40, $0x38;
	[tilespmem:$0x6D00] =	vst v63  }
.LBB2_2:
0x11: {  	p0 =	sne.s32 s14, $0x14FC0;
	[tilespmem:s15+$0x1900] =	vst v0;
	s15 =	smov.u32 s14;
	s14 =	sadd.s32 $0x40, s14  }
.Ltmp0:
0x12: {  	(pc) =	sbr.rel @p0 .LBB2_2-.Ltmp0, $2  }
0x13: {  	_ =	sdelay $0x2  }
0x14: {  	s15 =	sshra.s32 s15, $0x2  }
0x15: {  	[tilespmem:s15+$0x1900] =	vst v0  }
0x16: {  	_ =	swait.ge [sflag:s9], $0xC40  }
0x17: {  	[sflag:s9] =	ssyncset.done $0x0  }
0x18: {  	[sflag:s9] =	ssyncadd.s32 $0xFFFFF3C0  }
0x19: {  	_ =	swait.ge [sflag:s9], $0xC40  }
0x1a: {  	[sflag:s9] =	ssyncset.done $0x0  }
0x1b: {  	s14 =	simm.s32 $0x0;
	[sflag:s9] =	ssyncadd.s32 $0xFFFFF3C0  }
0x1c: {  	v3 =	vld [tilespmem:s14+$0x0];
	_ =	sdelay $0x4  }
0x1d: {  	v4 =	vand.u32 $0x7FFFFFFF, v3  }
0x1e: {  	v4 =	vsub.f32 $0.0e+00, v4;
	_ =	sdelay $0x1  }
0x1f: {  	v4 =	vmul.f32 $1.442695020e+00, v4;
	_ =	sdelay $0x1  }
0x20: {  	(erf) = vpow2.f32 v4;
	_ =	sdelay $0x8  }
0x21: {  	v4 =	vpop (erf)  }
0x22: {  	v5 =	vadd.f32 $1.000000000e+00, v4;
	_ =	sdelay $0x1  }
0x23: {  	(erf) = vrcp.f32 v5;
	_ =	sdelay $0x8  }
0x24: {  	v5 =	vpop (erf)  }
0x25: {  	v4 =	vmul.f32 v5, v4  }
0x26: {  	v6 =	vld [tilespmem:s14+$0xC80];
	vm0 =	vge.f32 v3, $0.0e+00  }
0x27: {  	v3 =	vsel vm0, v5, v4  }
0x28: {  	v3 =	vmul.f32 $1.000000000e+04, v3;
	_ =	sdelay $0x1  }
0x29: {  	v3 =	vtrunc.f32 v3  }
0x2a: {  	vm15 =	vge.f32 v6, $5.000000000e-01;
	v3 =	vcvt.f32.s32 v3  }
0x2b: {  	v62 =	vsel vm15, $0x0, v1  }
0x2c: {  	p0 =	slt.u32 s7, $0x186A0;
	v3 =	vadd.s32 v3, v62  }
0x2d: {  	v3 =	vpsel p0, v3, v2  }
0x2e: {  	(xrf1) =	vunique.msk.u32 $0xffff, v3;
	_ =	sdelay $0xd  }
0x2f: {  	_, v63, vm0 =	vpop (xrf1);
	_ =	sdelay $0x3  }
0x30: {  	v4 =	vcvt.s32.f32 v63;
	_ =	sdelay $0x1  }
0x31: {  	s16 =	simm.s32 $0x10;
	s15 =	simm.s32 $0x80;
	s14 =	smov.u32 s7;
	[tilespmem:v3+s10+$0x0] =	vst.idx.add.f32.msk vm0, v4  }
.LBB2_4:
0x32: {  	p0 =	sne.s32 s15, $0x30C0;
	v3 =	vld [tilespmem:s16+$0x0];
	_ =	sdelay $0x4  }
0x33: {  	v4 =	vand.u32 $0x7FFFFFFF, v3  }
0x34: {  	v4 =	vsub.f32 $0.0e+00, v4;
	_ =	sdelay $0x1  }
0x35: {  	v4 =	vmul.f32 $1.442695020e+00, v4;
	_ =	sdelay $0x1  }
0x36: {  	(erf) = vpow2.f32 v4;
	_ =	sdelay $0x8  }
0x37: {  	v4 =	vpop (erf)  }
0x38: {  	v5 =	vadd.f32 $1.000000000e+00, v4;
	_ =	sdelay $0x1  }
0x39: {  	(erf) = vrcp.f32 v5;
	_ =	sdelay $0x8  }
0x3a: {  	v5 =	vpop (erf)  }
0x3b: {  	v4 =	vmul.f32 v5, v4  }
0x3c: {  	vm0 =	vge.f32 v3, $0.0e+00;
	v6 =	vld [tilespmem:s16+$0xC80]  }
0x3d: {  	v3 =	vsel vm0, v5, v4  }
0x3e: {  	v3 =	vmul.f32 $1.000000000e+04, v3;
	_ =	sdelay $0x1  }
0x3f: {  	v3 =	vtrunc.f32 v3  }
0x40: {  	v3 =	vcvt.f32.s32 v3;
	vm0 =	vge.f32 v6, $5.000000000e-01  }
0x41: {  	s14 =	sadd.s32 $0x10, s14;
	v4 =	vsel vm0, $0x0, v1  }
0x42: {  	p1 =	slt.u32 s14, $0x186A0;
	v3 =	vadd.s32 v3, v4  }
0x43: {  	v3 =	vpsel p1, v3, v2  }
0x44: {  	(xrf1) =	vunique.msk.u32 $0xffff, v3;
	_ =	sdelay $0xd  }
0x45: {  	_, v4, vm0 =	vpop (xrf1);
	_ =	sdelay $0x1  }
.Ltmp1:
0x46: {  	(pc) =	sbr.rel @p0 .LBB2_4-.Ltmp1, $3  }
0x47: {  	_ = 	snop  }
0x48: {  	v4 =	vcvt.s32.f32 v4;
	_ =	sdelay $0x1  }
0x49: {  	s16 =	sshra.s32 s15, $0x2;
	s15 =	sadd.s32 $0x40, s15;
	[tilespmem:v3+s10+$0x0] =	vst.idx.add.f32.msk vm0, v4  }
0x4a: {  	v3 =	vld [tilespmem:s16+$0x0];
	_ =	sdelay $0x4  }
0x4b: {  	v4 =	vand.u32 $0x7FFFFFFF, v3  }
0x4c: {  	v4 =	vsub.f32 $0.0e+00, v4;
	_ =	sdelay $0x1  }
0x4d: {  	v4 =	vmul.f32 $1.442695020e+00, v4;
	_ =	sdelay $0x1  }
0x4e: {  	(erf) = vpow2.f32 v4;
	_ =	sdelay $0x8  }
0x4f: {  	v4 =	vpop (erf)  }
0x50: {  	v5 =	vadd.f32 $1.000000000e+00, v4;
	_ =	sdelay $0x1  }
0x51: {  	(erf) = vrcp.f32 v5;
	_ =	sdelay $0x8  }
0x52: {  	v5 =	vpop (erf)  }
0x53: {  	v4 =	vmul.f32 v5, v4  }
0x54: {  	v6 =	vld [tilespmem:s16+$0xC80];
	vm0 =	vge.f32 v3, $0.0e+00  }
0x55: {  	v3 =	vsel vm0, v5, v4  }
0x56: {  	v3 =	vmul.f32 $1.000000000e+04, v3;
	_ =	sdelay $0x1  }
0x57: {  	v3 =	vtrunc.f32 v3  }
0x58: {  	vm15 =	vge.f32 v6, $5.000000000e-01;
	v3 =	vcvt.f32.s32 v3  }
0x59: {  	s14 =	sadd.s32 $0x10, s14;
	v62 =	vsel vm15, $0x0, v1  }
0x5a: {  	p0 =	slt.u32 s14, $0x186A0;
	v3 =	vadd.s32 v3, v62  }
0x5b: {  	v3 =	vpsel p0, v3, v2  }
0x5c: {  	(xrf1) =	vunique.msk.u32 $0xffff, v3;
	_ =	sdelay $0xd  }
0x5d: {  	_, v63, vm0 =	vpop (xrf1);
	_ =	sdelay $0x3  }
0x5e: {  	s13 =	sadd.s32 $0x1, s13;
	v4 =	vcvt.s32.f32 v63  }
0x5f: {  	p0 =	sne.s32 s13, s6  }
.Ltmp2:
0x60: {  	[tilespmem:v3+s10+$0x0] =	vst.idx.add.f32.msk vm0, v4;
	(pc) =	sbr.rel @p0 .LBB2_1-.Ltmp2, $4  }
0x61: {  	[hbm4b:s5+s11] =	stream.strided.scatter [tilespmem:s10], [sflag:$0x1], $0x5400, s12, s11, $0x38;
	[tilespmem:$0x6D00] =	vst v63  }
0x62: {  	_ =	swait.ge [sflag:s9], $0x5400  }
0x63: {  	[sflag:s9] =	ssyncset.done $0x0  }
0x64: {  	[sflag:s9] =	ssyncadd.s32 $0xFFFFAC00  }
0x65: {  	_ =	sfence.sel $0x180000  }
0x66: {  	[bflag:$0x0] =	sbarrier.arrive $0xFFFF  }
0x67: {  	p0 =	sne.s32 s0, $0x0;
	_ =	strace $0x90000047  }
0x68: {  	s0 =	sadd.s32 @!p0 $0x100000, s1;
	[bflag:$0x2] =	sbarrier.arrive $0xFFFF  }
0x69: {  	[sflag:s0] =	ssyncadd.tile.s32 @!p0 $0x1;
	_ =	shalt  }
.Lfunc_end2:
_tile_overlayer_lowered:
.L_overlay_start_2:
0x6a: {  	(tag) =	ssettag $0x2  }
0x6b: {  	s0 =	rddreg [dreg:$0x0];
	s2 =	stileid.u32  }
0x6c: {  	s1 =	rddreg [dreg:$0x1];
	p0 =	sne.s32 s2, $0x0  }
0x6d: {  	s3 =	rddreg [dreg:$0x2];
	[bflag:$0x3] =	sbarrier.arrive $0xFFFF;
	s2 =	simm.s32 @!p0 $0x1C02  }
0x6e: {  	[timem:s3], [sflag:s2] =	dma.local @!p0 [hbm:s0], s1  }
0x6f: {  	s0 =	simm.s32 @!p0 $0x2  }
0x70: {  	_ =	swait.ge @!p0 [sflag:s0], s1  }
0x71: {  	s1 =	ssub.s32 @!p0 $0x0, s1;
	[sflag:s0] =	ssyncset.done @!p0 $0x0  }
0x72: {  	[sflag:s0] =	ssyncadd.s32 @!p0 s1  }
0x73: {  	[bflag:$0x3] =	sbarrier.arrive $0xFFFF  }
0x74: {  	_ =	shalt  }

</sc_bundles>
